<compile_context>
chip_gen: v7x
topology: tpu7x:2x2x1
jax: 0.10.2.dev20260603
libtpu: 0.0.44.dev20260713+nightly
codegen_flags: <defaults>
</compile_context>

<pallas_src>
import functools

import jax
import jax.numpy as jnp
from jax import lax
from jax.experimental import pallas as pl
from jax.experimental.pallas import tpu as pltpu
from jax.experimental.pallas import tpu_sc as plsc

N = 10000
E = 320000
C = 128

NC = 2
NS = 16
CHUNK = 128
CPT = 80
EPAD = NC * NS * CPT * CHUNK
IB = 8
NPAD = 10240
RPT = NPAD // NS
DEG_W = 16
ZB = 32

_mesh = plsc.VectorSubcoreMesh(core_axis_name="c", subcore_axis_name="s")


def _fill_vmem(ref, rows, width, value):
    v = jnp.full((16,), value, jnp.float32)

    @pl.loop(0, rows)
    def _(r):
        @pl.loop(0, width, step=16)
        def _(cc):
            ref[r, pl.ds(cc, 16)] = v


def _deg_body(dst_hbm, out_hbm, acc_sp, didx_v, ones_v, zb_v, sem):
    c = lax.axis_index("c")
    s = lax.axis_index("s")

    _fill_vmem(zb_v, RPT, DEG_W, 0.0)
    _fill_vmem(ones_v, CHUNK, DEG_W, 1.0)

    pltpu.async_copy(zb_v, acc_sp.at[pl.ds(s * RPT, RPT)], sem).wait()

    row0 = (c * NS + s) * CPT
    pltpu.async_copy(dst_hbm.at[pl.ds(row0, CPT)], didx_v, sem).wait()
    plsc.subcore_barrier()

    @pl.loop(0, CPT)
    def _(i):
        pltpu.sync_copy(ones_v, acc_sp.at[didx_v.at[i]], add=True)

    plsc.subcore_barrier()
    pltpu.async_copy(acc_sp.at[pl.ds(s * RPT, RPT)],
                     out_hbm.at[c, pl.ds(s * RPT, RPT)], sem).wait()


@jax.jit
def _deg(dst2d):
    k = pl.kernel(
        _deg_body,
        out_type=jax.ShapeDtypeStruct((NC, NPAD, DEG_W), jnp.float32),
        mesh=_mesh,
        scratch_types=[
            pltpu.VMEM_SHARED((NPAD, DEG_W), jnp.float32),
            pltpu.VMEM((CPT, CHUNK), jnp.int32),
            pltpu.VMEM((CHUNK, DEG_W), jnp.float32),
            pltpu.VMEM((RPT, DEG_W), jnp.float32),
            pltpu.SemaphoreType.DMA,
        ],
    )
    return k(dst2d)


def _agg_body(m_hbm, src_hbm, dst_hbm, out_hbm, acc_sp,
              sidx_v, didx_v, rows_a, rows_b, zb_v, sem_a, sem_b, sem):
    c = lax.axis_index("c")
    s = lax.axis_index("s")

    _fill_vmem(zb_v, ZB, C, 0.0)

    @pl.loop(0, RPT // ZB)
    def _(j):
        pltpu.async_copy(zb_v, acc_sp.at[pl.ds(s * RPT + j * ZB, ZB)],
                         sem).wait()

    row0 = (c * NS + s) * CPT
    plsc.subcore_barrier()

    @pl.loop(0, CPT // IB)
    def _(b):
        pltpu.async_copy(src_hbm.at[pl.ds(row0 + b * IB, IB)], sidx_v,
                         sem).wait()
        pltpu.async_copy(dst_hbm.at[pl.ds(row0 + b * IB, IB)], didx_v,
                         sem).wait()
        pltpu.async_copy(m_hbm.at[sidx_v.at[0]], rows_a, sem_a)

        @pl.loop(0, IB, step=2)
        def _(i):
            pltpu.make_async_copy(m_hbm.at[sidx_v.at[0]], rows_a, sem_a).wait()
            pltpu.async_copy(m_hbm.at[sidx_v.at[i + 1]], rows_b, sem_b)
            pltpu.sync_copy(rows_a, acc_sp.at[didx_v.at[i]], add=True)

            pltpu.make_async_copy(m_hbm.at[sidx_v.at[0]], rows_b, sem_b).wait()

            @pl.when(i + 2 < IB)
            def _():
                pltpu.async_copy(m_hbm.at[sidx_v.at[i + 2]], rows_a, sem_a)

            pltpu.sync_copy(rows_b, acc_sp.at[didx_v.at[i + 1]], add=True)

    plsc.subcore_barrier()
    pltpu.async_copy(acc_sp.at[pl.ds(s * RPT, RPT)],
                     out_hbm.at[c, pl.ds(s * RPT, RPT)], sem).wait()


@jax.jit
def _agg(m, src2d, dst2d):
    k = pl.kernel(
        _agg_body,
        out_type=jax.ShapeDtypeStruct((NC, NPAD, C), jnp.float32),
        mesh=_mesh,
        scratch_types=[
            pltpu.VMEM_SHARED((NPAD, C), jnp.float32),
            pltpu.VMEM((IB, CHUNK), jnp.int32),
            pltpu.VMEM((IB, CHUNK), jnp.int32),
            pltpu.VMEM((CHUNK, C), jnp.float32),
            pltpu.VMEM((CHUNK, C), jnp.float32),
            pltpu.VMEM((ZB, C), jnp.float32),
            pltpu.SemaphoreType.DMA,
            pltpu.SemaphoreType.DMA,
            pltpu.SemaphoreType.DMA,
        ],
    )
    return k(m, src2d, dst2d)


BLK = 1000


def _dis_of(dp):
    deg = dp[0, :, 0] + dp[1, :, 0] + 1.0
    return lax.rsqrt(deg)


def _pre_body(x_ref, w_ref, dp_ref, o_ref):
    dis = _dis_of(dp_ref[...])
    h = jnp.dot(x_ref[...], w_ref[...], preferred_element_type=jnp.float32)
    o_ref[...] = h * dis[:, None]


def _mid_body(agg_ref, m_ref, dp_ref, b_ref, w_ref, o_ref):
    dis = _dis_of(dp_ref[...])
    t = (agg_ref[0] + agg_ref[1] + m_ref[...]) * dis[:, None] + b_ref[...]
    h = jnp.where(t > 0, t, jnp.exp(jnp.minimum(t, 0.0)) - 1.0)
    o_ref[...] = jnp.dot(h, w_ref[...],
                         preferred_element_type=jnp.float32) * dis[:, None]


def _post_body(agg_ref, m_ref, dp_ref, b_ref, o_ref):
    dis = _dis_of(dp_ref[...])
    t = (agg_ref[0] + agg_ref[1] + m_ref[...]) * dis[:, None] + b_ref[...]
    o_ref[...] = jnp.where(t > 0, t, jnp.exp(jnp.minimum(t, 0.0)) - 1.0)


_row_blk = pl.BlockSpec((BLK, C), lambda i: (i, 0))
_full_w = pl.BlockSpec((C, C), lambda i: (0, 0))
_dp_blk = pl.BlockSpec((NC, BLK, DEG_W), lambda i: (0, i, 0))
_agg_blk = pl.BlockSpec((NC, BLK, C), lambda i: (0, i, 0))
_bias_blk = pl.BlockSpec((1, C), lambda i: (0, 0))
_out_t = jax.ShapeDtypeStruct((N, C), jnp.float32)


@jax.jit
def _pre(x, W1, dp):
    return pl.pallas_call(
        _pre_body, grid=(N // BLK,),
        in_specs=[_row_blk, _full_w, _dp_blk],
        out_specs=_row_blk, out_shape=_out_t,
    )(x, W1, dp)


@jax.jit
def _mid(agg, m, dp, b, W2):
    return pl.pallas_call(
        _mid_body, grid=(N // BLK,),
        in_specs=[_agg_blk, _row_blk, _dp_blk, _bias_blk, _full_w],
        out_specs=_row_blk, out_shape=_out_t,
    )(agg, m, dp, b, W2)


@jax.jit
def _post(agg, m, dp, b):
    return pl.pallas_call(
        _post_body, grid=(N // BLK,),
        in_specs=[_agg_blk, _row_blk, _dp_blk, _bias_blk],
        out_specs=_row_blk, out_shape=_out_t,
    )(agg, m, dp, b)


def kernel(x, edge_index, W1, b1, W2, b2):
    pad = EPAD - E
    src_p = jnp.concatenate(
        [edge_index[0].astype(jnp.int32), jnp.zeros((pad,), jnp.int32)])
    dst_p = jnp.concatenate(
        [edge_index[1].astype(jnp.int32),
         N + jax.lax.rem(jnp.arange(pad, dtype=jnp.int32),
                         jnp.int32(NPAD - N))])
    src2d = src_p.reshape(EPAD // CHUNK, CHUNK)
    dst2d = dst_p.reshape(EPAD // CHUNK, CHUNK)
    b1r = b1.reshape(1, C)
    b2r = b2.reshape(1, C)

    dp = _deg(dst2d)
    m1 = _pre(x, W1, dp)
    agg1 = _agg(m1, src2d, dst2d)
    m2 = _mid(agg1, m1, dp, b1r, W2)
    agg2 = _agg(m2, src2d, dst2d)
    return _post(agg2, m2, dp, b2r)

# --- scband reference (transcript-rebuilt; emitter-appended) ---
"""Pipeline reference for scband-dynamic-gcn-81123342287579 (READ-ONLY COPY).

The authoritative reference and input builder live on the scoring server;
editing this copy changes nothing except your own understanding.
"""

import jax, jax.numpy as jnp
import numpy as np

N_NODES = 10000
N_EDGES = 320000
CHANNELS = [128, 128, 128]


def setup_inputs(seed: int = 0) -> dict:
    key = jax.random.key(seed)
    k_x, k_e, k_w1, k_b1, k_w2, k_b2 = jax.random.split(key, 6)
    x = jax.random.normal(k_x, (N_NODES, CHANNELS[0]), dtype=jnp.float32)
    edge_index = jax.random.randint(k_e, (2, N_EDGES), 0, N_NODES, dtype=jnp.int64)
    W1 = jax.random.normal(k_w1, (CHANNELS[0], CHANNELS[1]), dtype=jnp.float32) * (1.0 / np.sqrt(CHANNELS[0]))
    b1 = jnp.zeros((CHANNELS[1],), dtype=jnp.float32)
    W2 = jax.random.normal(k_w2, (CHANNELS[1], CHANNELS[2]), dtype=jnp.float32) * (1.0 / np.sqrt(CHANNELS[1]))
    b2 = jnp.zeros((CHANNELS[2],), dtype=jnp.float32)
    return {"x": x, "edge_index": edge_index, "W1": W1, "b1": b1, "W2": W2, "b2": b2}


def _add_self_loops(edge_index, num_nodes):
    loop = jnp.arange(num_nodes, dtype=edge_index.dtype)
    loop = jnp.stack([loop, loop], axis=0)
    return jnp.concatenate([edge_index, loop], axis=1)


def _gcn_conv(x, src, dst, W, b, num_nodes):
    # Linear transform first (as in PyG GCNConv)
    h = x @ W
    # Symmetric normalization: deg computed on dst (col) with unit edge weights
    ones = jnp.ones((src.shape[0],), dtype=h.dtype)
    deg = jnp.zeros((num_nodes,), dtype=h.dtype).at[dst].add(ones)
    deg_inv_sqrt = jnp.where(deg > 0, 1.0 / jnp.sqrt(deg), 0.0)
    norm = deg_inv_sqrt[src] * deg_inv_sqrt[dst]
    # Gather messages from src, scale, scatter-add to dst
    msg = h[src] * norm[:, None]
    out = jnp.zeros((num_nodes, h.shape[1]), dtype=h.dtype).at[dst].add(msg)
    return out + b


def reference(x, edge_index, W1, b1, W2, b2):
    num_nodes = x.shape[0]
    ei = _add_self_loops(edge_index, num_nodes)
    src, dst = ei[0], ei[1]
    # Layer 1
    h = _gcn_conv(x, src, dst, W1, b1, num_nodes)
    h = jax.nn.elu(h)
    # dropout is identity in eval mode
    # Layer 2
    h = _gcn_conv(h, src, dst, W2, b2, num_nodes)
    h = jax.nn.elu(h)
    return h

if __name__ == "__main__":
    import jax
    _d = setup_inputs()
    print(jax.jit(kernel)(*tuple(_d.values())))

</pallas_src>

<mosaic_0001>
#map = affine_map<(d0, d1) -> (0, 0)>
#map1 = affine_map<(d0, d1) -> (0, 0, 0)>
module attributes {stable_mosaic.version = 14 : i64} {
  func.func @_deg_body(%arg0: i32, %arg1: i32, %arg2: memref<2560x128xi32, #tpu.memory_space<hbm>>, %arg3: memref<2x10240x16xf32, #tpu.memory_space<hbm>>, %arg4: memref<10240x16xf32, #tpu.memory_space<vmem_shared>>, %arg5: memref<80x128xi32, #tpu.memory_space<vmem>>, %arg6: memref<128x16xf32, #tpu.memory_space<vmem>>, %arg7: memref<640x16xf32, #tpu.memory_space<vmem>>, %arg8: memref<!tpu.dma_semaphore, #tpu.memory_space<semaphore_mem>>) attributes {dimension_semantics = [#tpu.dimension_semantics<core_parallel>, #tpu.dimension_semantics<subcore_parallel>], iteration_bounds = array<i64: 2, 16>, scalar_prefetch = 0 : i64, scratch_operands = 5 : i64, tpu.core_type = #tpu.core_type<sc_vector_subcore>, window_params = [{transform_indices = #map}, {transform_indices = #map1}]} {
    %broadcast_in_dim3A = arith.constant 0.000000e+00 : f32
    %broadcast_in_dim3A_0 = vector.broadcast %broadcast_in_dim3A : f32 to vector<16xf32>
    %scan3A = arith.constant 0 : i32
    %scan3A_1 = arith.constant 640 : i32
    %scan3A_2 = arith.addi %scan3A, %scan3A_1 : i32
    %scan3A_3 = arith.constant 1 : i32
    scf.for %scan3A_51 = %scan3A to %scan3A_2 step %scan3A_3  : i32 {
      %mul3A_52 = arith.constant 1 : i32
      %mul3A_53 = arith.muli %scan3A_51, %mul3A_52 : i32
      %add3A_54 = arith.constant 0 : i32
      %add3A_55 = arith.addi %add3A_54, %mul3A_53 : i32
      %scan3A_56 = arith.constant 0 : i32
      %mul3A_57 = arith.constant 16 : i32
      %mul3A_58 = arith.muli %scan3A_56, %mul3A_57 : i32
      %add3A_59 = arith.constant 0 : i32
      %add3A_60 = arith.addi %add3A_59, %mul3A_58 : i32
      %swap3A = arith.index_cast %add3A_55 : i32 to index
      %swap3A_61 = arith.index_cast %add3A_60 : i32 to index
      %swap3A_62 = tpu.vector_load %arg7[%swap3A, %swap3A_61] {strides = array<i32>} : memref<640x16xf32, #tpu.memory_space<vmem>>, vector<1x16xf32>,
      %swap3A_63 = vector.shape_cast %swap3A_62 : vector<1x16xf32> to vector<16xf32>
      %swap3A_64 = vector.shape_cast %broadcast_in_dim3A_0 : vector<16xf32> to vector<1x16xf32>
      tpu.vector_store %arg7[%swap3A, %swap3A_61], %swap3A_64 {strides = array<i32>} : memref<640x16xf32, #tpu.memory_space<vmem>>, vector<1x16xf32>,
      %scan3A_65 = arith.constant 1 : i32
    }
    %scan3A_4 = arith.constant 640 : i32
    %broadcast_in_dim3A_5 = arith.constant 1.000000e+00 : f32
    %broadcast_in_dim3A_6 = vector.broadcast %broadcast_in_dim3A_5 : f32 to vector<16xf32>
    %scan3A_7 = arith.constant 0 : i32
    %scan3A_8 = arith.constant 128 : i32
    %scan3A_9 = arith.addi %scan3A_7, %scan3A_8 : i32
    %scan3A_10 = arith.constant 1 : i32
    scf.for %scan3A_51 = %scan3A_7 to %scan3A_9 step %scan3A_10  : i32 {
      %mul3A_52 = arith.constant 1 : i32
      %mul3A_53 = arith.muli %scan3A_51, %mul3A_52 : i32
      %add3A_54 = arith.constant 0 : i32
      %add3A_55 = arith.addi %add3A_54, %mul3A_53 : i32
      %scan3A_56 = arith.constant 0 : i32
      %mul3A_57 = arith.constant 16 : i32
      %mul3A_58 = arith.muli %scan3A_56, %mul3A_57 : i32
      %add3A_59 = arith.constant 0 : i32
      %add3A_60 = arith.addi %add3A_59, %mul3A_58 : i32
      %swap3A = arith.index_cast %add3A_55 : i32 to index
      %swap3A_61 = arith.index_cast %add3A_60 : i32 to index
      %swap3A_62 = tpu.vector_load %arg6[%swap3A, %swap3A_61] {strides = array<i32>} : memref<128x16xf32, #tpu.memory_space<vmem>>, vector<1x16xf32>,
      %swap3A_63 = vector.shape_cast %swap3A_62 : vector<1x16xf32> to vector<16xf32>
      %swap3A_64 = vector.shape_cast %broadcast_in_dim3A_6 : vector<16xf32> to vector<1x16xf32>
      tpu.vector_store %arg6[%swap3A, %swap3A_61], %swap3A_64 {strides = array<i32>} : memref<128x16xf32, #tpu.memory_space<vmem>>, vector<1x16xf32>,
      %scan3A_65 = arith.constant 1 : i32
    }
    %scan3A_11 = arith.constant 128 : i32
    %mul3A = arith.constant 640 : i32
    %mul3A_12 = arith.muli %arg1, %mul3A : i32
    %dma_start3A = arith.constant 0 : i32
    %dma_start3A_13 = tpu.memref_slice %arg4[%mul3A_12, %dma_start3A] : memref<10240x16xf32, #tpu.memory_space<vmem_shared>> -> memref<640x16xf32, #tpu.memory_space<vmem_shared>>
    %dma_start3A_14 = arith.constant 0 : i32
    %dma_start3A_15 = tpu.memref_slice %arg4[%mul3A_12, %dma_start3A_14] : memref<10240x16xf32, #tpu.memory_space<vmem_shared>> -> memref<640x16xf32, #tpu.memory_space<vmem_shared>>
    tpu.enqueue_dma source(%arg7 : memref<640x16xf32, #tpu.memory_space<vmem>>) target(%dma_start3A_15 : memref<640x16xf32, #tpu.memory_space<vmem_shared>>) target_semaphore(%arg8 : memref<!tpu.dma_semaphore, #tpu.memory_space<semaphore_mem>>)
    %dma_wait3A = arith.constant 0 : i32
    %dma_wait3A_16 = tpu.memref_slice %arg4[%mul3A_12, %dma_wait3A] : memref<10240x16xf32, #tpu.memory_space<vmem_shared>> -> memref<640x16xf32, #tpu.memory_space<vmem_shared>>
    %dma_wait3A_17 = arith.constant 0 : i32
    %dma_wait3A_18 = tpu.memref_slice %arg4[%mul3A_12, %dma_wait3A_17] : memref<10240x16xf32, #tpu.memory_space<vmem_shared>> -> memref<640x16xf32, #tpu.memory_space<vmem_shared>>
    tpu.wait_dma2 semaphore(%arg8 : memref<!tpu.dma_semaphore, #tpu.memory_space<semaphore_mem>>) src(%arg7 : memref<640x16xf32, #tpu.memory_space<vmem>>) dst(%dma_wait3A_18 : memref<640x16xf32, #tpu.memory_space<vmem_shared>>)
    %mul3A_19 = arith.constant 16 : i32
    %mul3A_20 = arith.muli %arg0, %mul3A_19 : i32
    %add3A = arith.addi %mul3A_20, %arg1 : i32
    %mul3A_21 = arith.constant 80 : i32
    %mul3A_22 = arith.muli %add3A, %mul3A_21 : i32
    %dma_start3A_23 = arith.constant 0 : i32
    %dma_start3A_24 = tpu.memref_slice %arg2[%mul3A_22, %dma_start3A_23] : memref<2560x128xi32, #tpu.memory_space<hbm>> -> memref<80x128xi32, #tpu.memory_space<hbm>>
    %dma_start3A_25 = arith.constant 0 : i32
    %dma_start3A_26 = tpu.memref_slice %arg2[%mul3A_22, %dma_start3A_25] : memref<2560x128xi32, #tpu.memory_space<hbm>> -> memref<80x128xi32, #tpu.memory_space<hbm>>
    tpu.enqueue_dma source(%dma_start3A_26 : memref<80x128xi32, #tpu.memory_space<hbm>>) target(%arg5 : memref<80x128xi32, #tpu.memory_space<vmem>>) target_semaphore(%arg8 : memref<!tpu.dma_semaphore, #tpu.memory_space<semaphore_mem>>)
    %dma_wait3A_27 = arith.constant 0 : i32
    %dma_wait3A_28 = tpu.memref_slice %arg2[%mul3A_22, %dma_wait3A_27] : memref<2560x128xi32, #tpu.memory_space<hbm>> -> memref<80x128xi32, #tpu.memory_space<hbm>>
    %dma_wait3A_29 = arith.constant 0 : i32
    %dma_wait3A_30 = tpu.memref_slice %arg2[%mul3A_22, %dma_wait3A_29] : memref<2560x128xi32, #tpu.memory_space<hbm>> -> memref<80x128xi32, #tpu.memory_space<hbm>>
    tpu.wait_dma2 semaphore(%arg8 : memref<!tpu.dma_semaphore, #tpu.memory_space<semaphore_mem>>) src(%dma_wait3A_30 : memref<80x128xi32, #tpu.memory_space<hbm>>) dst(%arg5 : memref<80x128xi32, #tpu.memory_space<vmem>>)
    %barrier3A = arith.constant 0 : index
    tpu.barrier barrier_id(%barrier3A)
    %scan3A_31 = arith.constant 0 : i32
    %scan3A_32 = arith.constant 80 : i32
    %scan3A_33 = arith.addi %scan3A_31, %scan3A_32 : i32
    %scan3A_34 = arith.constant 1 : i32
    scf.for %scan3A_51 = %scan3A_31 to %scan3A_33 step %scan3A_34  : i32 {
      %mul3A_52 = arith.constant 1 : i32
      %mul3A_53 = arith.muli %scan3A_51, %mul3A_52 : i32
      %add3A_54 = arith.constant 0 : i32
      %add3A_55 = arith.addi %add3A_54, %mul3A_53 : i32
      "tpu.region"() ({
        %run_scoped3A = tpu.sem_alloc : memref<!tpu.dma_semaphore, #tpu.memory_space<semaphore_mem>>
        %dma_start3A_56 = arith.constant 0 : i32
        %dma_start3A_57 = tpu.memref_slice %arg5[%add3A_55, %dma_start3A_56] : memref<80x128xi32, #tpu.memory_space<vmem>> -> memref<1x128xi32, #tpu.memory_space<vmem>>
        %dma_start3A_58 = tpu.memref_squeeze %dma_start3A_57 : memref<1x128xi32, #tpu.memory_space<vmem>> -> memref<128xi32, #tpu.memory_space<vmem>>
        %dma_start3A_59 = arith.constant 0 : i32
        %dma_start3A_60 = arith.constant 0 : i32
        %dma_start3A_61 = tpu.memref_slice %arg4[%dma_start3A_59, %dma_start3A_60] : memref<10240x16xf32, #tpu.memory_space<vmem_shared>> -> memref<10240x16xf32, #tpu.memory_space<vmem_shared>>
        tpu.enqueue_indirect_dma source(%arg6 : memref<128x16xf32, #tpu.memory_space<vmem>>) target(%dma_start3A_61 : memref<10240x16xf32, #tpu.memory_space<vmem_shared>>) offsets(%dma_start3A_58 : memref<128xi32, #tpu.memory_space<vmem>>) semaphore(%run_scoped3A : memref<!tpu.dma_semaphore, #tpu.memory_space<semaphore_mem>>) {add = true}
        %dma_wait3A_62 = arith.constant 0 : i32
        %dma_wait3A_63 = tpu.memref_slice %arg5[%add3A_55, %dma_wait3A_62] : memref<80x128xi32, #tpu.memory_space<vmem>> -> memref<1x128xi32, #tpu.memory_space<vmem>>
        %dma_wait3A_64 = tpu.memref_squeeze %dma_wait3A_63 : memref<1x128xi32, #tpu.memory_space<vmem>> -> memref<128xi32, #tpu.memory_space<vmem>>
        %dma_wait3A_65 = arith.constant 0 : i32
        %dma_wait3A_66 = arith.constant 0 : i32
        %dma_wait3A_67 = tpu.memref_slice %arg4[%dma_wait3A_65, %dma_wait3A_66] : memref<10240x16xf32, #tpu.memory_space<vmem_shared>> -> memref<10240x16xf32, #tpu.memory_space<vmem_shared>>
        tpu.wait_indirect_dma semaphore(%run_scoped3A : memref<!tpu.dma_semaphore, #tpu.memory_space<semaphore_mem>>) src(%arg6 : memref<128x16xf32, #tpu.memory_space<vmem>>) dst(%dma_wait3A_67 : memref<10240x16xf32, #tpu.memory_space<vmem_shared>>)
        tpu.yield
      }) : () -> ()
    }
    %scan3A_35 = arith.constant 80 : i32
    %barrier3A_36 = arith.constant 0 : index
    tpu.barrier barrier_id(%barrier3A_36)
    %mul3A_37 = arith.constant 640 : i32
    %mul3A_38 = arith.muli %arg1, %mul3A_37 : i32
    %mul3A_39 = arith.constant 640 : i32
    %mul3A_40 = arith.muli %arg1, %mul3A_39 : i32
    %dma_start3A_41 = arith.constant 0 : i32
    %dma_start3A_42 = tpu.memref_slice %arg3[%arg0, %mul3A_40, %dma_start3A_41] : memref<2x10240x16xf32, #tpu.memory_space<hbm>> -> memref<1x640x16xf32, #tpu.memory_space<hbm>>
    %dma_start3A_43 = tpu.memref_squeeze %dma_start3A_42 : memref<1x640x16xf32, #tpu.memory_space<hbm>> -> memref<640x16xf32, #tpu.memory_space<hbm>>
    %dma_start3A_44 = arith.constant 0 : i32
    %dma_start3A_45 = tpu.memref_slice %arg4[%mul3A_38, %dma_start3A_44] : memref<10240x16xf32, #tpu.memory_space<vmem_shared>> -> memref<640x16xf32, #tpu.memory_space<vmem_shared>>
    tpu.enqueue_dma source(%dma_start3A_45 : memref<640x16xf32, #tpu.memory_space<vmem_shared>>) target(%dma_start3A_43 : memref<640x16xf32, #tpu.memory_space<hbm>>) target_semaphore(%arg8 : memref<!tpu.dma_semaphore, #tpu.memory_space<semaphore_mem>>)
    %dma_wait3A_46 = arith.constant 0 : i32
    %dma_wait3A_47 = tpu.memref_slice %arg3[%arg0, %mul3A_40, %dma_wait3A_46] : memref<2x10240x16xf32, #tpu.memory_space<hbm>> -> memref<1x640x16xf32, #tpu.memory_space<hbm>>
    %dma_wait3A_48 = tpu.memref_squeeze %dma_wait3A_47 : memref<1x640x16xf32, #tpu.memory_space<hbm>> -> memref<640x16xf32, #tpu.memory_space<hbm>>
    %dma_wait3A_49 = arith.constant 0 : i32
    %dma_wait3A_50 = tpu.memref_slice %arg4[%mul3A_38, %dma_wait3A_49] : memref<10240x16xf32, #tpu.memory_space<vmem_shared>> -> memref<640x16xf32, #tpu.memory_space<vmem_shared>>
    tpu.wait_dma2 semaphore(%arg8 : memref<!tpu.dma_semaphore, #tpu.memory_space<semaphore_mem>>) src(%dma_wait3A_50 : memref<640x16xf32, #tpu.memory_space<vmem_shared>>) dst(%dma_wait3A_48 : memref<640x16xf32, #tpu.memory_space<hbm>>)
    return
  }
}

</mosaic_0001>

<sc_bundles>
// kernel: _deg.3.cloned.1.call-start
scs
__scs_entry_jumppad:
0x0: {  	(pc) =	sbr.rel $0x88, $3  }
0x1: {  	(tag) =	ssettag $0x0;
	lr =	simm.s32 $0x1  }
0x2: {  	[smem:$0x3FA0] =	sst lr;
	_ =	strace $0xD0000000  }
0x3: {  	_ = 	snop  }
0x4: {  	_ = 	snop  }
0x5: {  	_ = 	snop  }
0x6: {  	_ = 	snop  }
0x7: {  	_ = 	snop  }
__scs_overlays_trampoline_lowered:
0x8: {  	[smem:$0x3FAF] =	sst s0  }
0x9: {  	[smem:$0x3FB0] =	sst s1  }
0xa: {  	[smem:$0x3FB1] =	sst s2  }
0xb: {  	[smem:$0x3FB2] =	sst s3  }
0xc: {  	[smem:$0x3FB3] =	sst s4  }
0xd: {  	[smem:$0x3FB4] =	sst s5  }
0xe: {  	[smem:$0x3FB5] =	sst s6  }
0xf: {  	[smem:$0x3FB6] =	sst s7  }
0x10: {  	[smem:$0x3FB7] =	sst s8  }
0x11: {  	[smem:$0x3FB8] =	sst s9;
	s0 =	simm.s32 @!p0 $0x0  }
0x12: {  	s1 =	sld [smem:$0x3F9E];
	s0 =	simm.s32 @p0 $0x1  }
0x13: {  	[smem:$0x3FB9] =	sst s0;
	s0 =	simm.s32 @!p1 $0x0  }
0x14: {  	s2 =	sld [smem:$0x3F9D];
	s0 =	simm.s32 @p1 $0x1  }
0x15: {  	[smem:$0x3FBA] =	sst s0;
	s0 =	simm.s32 @!p2 $0x0  }
0x16: {  	s3 =	sld [smem:$0x3FDB];
	s0 =	simm.s32 @p2 $0x1  }
0x17: {  	s4 =	simm.s32 $0x1BF5;
	[smem:$0x3FBC] =	sst s0  }
0x18: {  	s0 =	sld [smem:$0x3F9F];
	_ =	swait.ge [sflag:s4], $0x0  }
0x19: {  	s7 =	sld [smem:$0x3FA0]  }
0x1a: {  	s8 =	sadd.s32 $0xFFFFE003, lr  }
0x1b: {  	s9 =	sadd.s32 $0xFFFFFEF7, lr;
	s5 =	simm.s32 $0xFFFFFFFF;
	p2 =	slt.u32 s8, $0xFFFFF086  }
0x1c: {  	p1 =	slt.u32 s9, $0xF7A;
	s5 =	simm.s32 @!p2 $0x0  }
0x1d: {  	s5 =	simm.s32 @p1 $0x1;
	p0 =	seq.s32 s7, s2  }
0x1e: {  	s7 =	smul.u32 @!p0 $0xF7A, s2;
	p2 =	seq.s32 @!p0 s5, $0x0  }
0x1f: {  	s9 =	smul.u32 $0xF7A, s1;
	s8 =	simm.s32 @!p0 $0x1BF5;
	p2 =	por !p2, p0  }
0x20: {  	[sflag:s8] =	ssyncset.s32 @!p0 $0xFFFFF086;
	s6 =	sadd.s32 @!p0 s3, s7;
	s7 =	simm.s32 @!p0 $0x108  }
0x21: {  	s3 =	sadd.s32 s3, s9;
	s6 =	sadd.s32 @!p0 $0x88, s6;
	s7 =	simm.s32 @p2 $0x1082  }
0x22: {  	[simem:s7], [sflag:s8] =	dma.local @!p0 [hbm:s6], $0xF7A  }
0x23: {  	s9 =	sor.u32 $0xD0000000, s2;
	s6 =	simm.s32 $0x108;
	_ =	swait.ge @!p0 [sflag:s8], $0x0  }
0x24: {  	s3 =	sadd.s32 $0x88, s3;
	s6 =	simm.s32 @!p1 $0x1082;
	[sflag:s4] =	ssyncset.s32 $0xFFFFF086  }
0x25: {  	[simem:s6], [sflag:s4] =	dma.local [hbm:s3], $0xF7A  }
0x26: {  	[smem:$0x3FA0] =	sst s1;
	(tag) =	ssettag s2;
	_ =	strace s9  }
0x27: {  	s1 =	sld [smem:$0x3FB0]  }
0x28: {  	s2 =	sld [smem:$0x3FB1]  }
0x29: {  	s4 =	sld [smem:$0x3FB3]  }
0x2a: {  	p0 =	seq.s32 s5, $0x0;
	s5 =	sld [smem:$0x3FB4]  }
0x2b: {  	s6 =	sld [smem:$0x3FB5]  }
0x2c: {  	s7 =	sld [smem:$0x3FB6]  }
0x2d: {  	s3 =	simm.s32 $0x108;
	s8 =	sld [smem:$0x3FB7]  }
0x2e: {  	s3 =	simm.s32 @!p0 $0x1082;
	s9 =	sld [smem:$0x3FB8]  }
0x2f: {  	lr =	sadd.s32 s0, s3;
	s0 =	sld [smem:$0x3FAF]  }
0x30: {  	s3 =	sld [smem:$0x3FB2]  }
0x31: {  	[smem:$0x3FBB] =	sst s10  }
0x32: {  	s10 =	sld [smem:$0x3FB9];
	_ =	sdelay $0x3  }
0x33: {  	p0 =	seq.s32 s10, $0x1;
	s10 =	sld [smem:$0x3FBB];
	_ =	sdelay $0x3  }
0x34: {  	[smem:$0x3FBB] =	sst s10  }
0x35: {  	s10 =	sld [smem:$0x3FBA];
	_ =	sdelay $0x3  }
0x36: {  	p1 =	seq.s32 s10, $0x1;
	s10 =	sld [smem:$0x3FBB];
	_ =	sdelay $0x3  }
0x37: {  	[smem:$0x3FBB] =	sst s10  }
0x38: {  	s10 =	sld [smem:$0x3FBC]  }
0x39: {  	_ = 	snop;
	(pc) =	sbr.ind lr, $3  }
0x3a: {  	_ = 	snop  }
0x3b: {  	_ = 	snop  }
0x3c: {  	p2 =	seq.s32 s10, $0x1;
	s10 =	sld [smem:$0x3FBB]  }
0x3d: {  	_ =	shalt  }
0x3e: {  	_ =	shalt  }
0x3f: {  	_ =	shalt  }
0x40: {  	_ =	shalt  }
0x41: {  	_ =	shalt  }
0x42: {  	_ =	shalt  }
0x43: {  	_ =	shalt  }
0x44: {  	_ =	shalt  }
0x45: {  	_ =	shalt  }
0x46: {  	_ =	shalt  }
0x47: {  	_ =	shalt  }
0x48: {  	_ =	shalt  }
0x49: {  	_ =	shalt  }
0x4a: {  	_ =	shalt  }
0x4b: {  	_ =	shalt  }
0x4c: {  	_ =	shalt  }
0x4d: {  	_ =	shalt  }
0x4e: {  	_ =	shalt  }
0x4f: {  	_ =	shalt  }
0x50: {  	_ =	shalt  }
0x51: {  	_ =	shalt  }
0x52: {  	_ =	shalt  }
0x53: {  	_ =	shalt  }
0x54: {  	_ =	shalt  }
0x55: {  	_ =	shalt  }
0x56: {  	_ =	shalt  }
0x57: {  	_ =	shalt  }
0x58: {  	_ =	shalt  }
0x59: {  	_ =	shalt  }
0x5a: {  	_ =	shalt  }
0x5b: {  	_ =	shalt  }
0x5c: {  	_ =	shalt  }
0x5d: {  	_ =	shalt  }
0x5e: {  	_ =	shalt  }
0x5f: {  	_ =	shalt  }
0x60: {  	_ =	shalt  }
0x61: {  	_ =	shalt  }
0x62: {  	_ =	shalt  }
0x63: {  	_ =	shalt  }
0x64: {  	_ =	shalt  }
0x65: {  	_ =	shalt  }
0x66: {  	_ =	shalt  }
0x67: {  	_ =	shalt  }
0x68: {  	_ =	shalt  }
0x69: {  	_ =	shalt  }
0x6a: {  	_ =	shalt  }
0x6b: {  	_ =	shalt  }
0x6c: {  	_ =	shalt  }
0x6d: {  	_ =	shalt  }
0x6e: {  	_ =	shalt  }
0x6f: {  	_ =	shalt  }
0x70: {  	_ =	shalt  }
0x71: {  	_ =	shalt  }
0x72: {  	_ =	shalt  }
0x73: {  	_ =	shalt  }
0x74: {  	_ =	shalt  }
0x75: {  	_ =	shalt  }
0x76: {  	_ =	shalt  }
0x77: {  	_ =	shalt  }
0x78: {  	_ =	shalt  }
0x79: {  	_ =	shalt  }
0x7a: {  	_ =	shalt  }
0x7b: {  	_ =	shalt  }
0x7c: {  	_ =	shalt  }
0x7d: {  	_ =	shalt  }
0x7e: {  	_ =	shalt  }
0x7f: {  	_ =	shalt  }
0x80: {  	_ =	shalt  }
0x81: {  	_ =	shalt  }
0x82: {  	_ =	shalt  }
0x83: {  	_ =	shalt  }
0x84: {  	_ =	shalt  }
0x85: {  	_ =	shalt  }
0x86: {  	_ =	shalt  }
0x87: {  	_ =	shalt  }
.Lfunc_end0:
.L_simem_size_0:
called_computation_lowered:
.L_overlay_start_0:
0x88: {  	s2 =	sld [smem:$0x3FD9]  }
0x89: {  	s3 =	sld [smem:$0x3FFE];
	_ =	sdelay $0x1  }
0x8a: {  	s1 =	srdreg.scid  }
0x8b: {  	s0 =	sand.u32 $0x1, s1  }
0x8c: {  	s17 =	sshll.u32 s0, $0xA;
	s2 =	sadd.s32 s3, s2  }
0x8d: {  	s2 =	sadd.s32 s2, s17  }
0x8e: {  	[smem:$0x3FC7] =	sst s2  }
0x8f: {  	_ = 	snop  }
0x90: {  	s2 =	sld [smem:$0x3FC9];
	(tm) =	ssettm $0x1  }
0x91: {  	s18 =	sld [smem:$0x3FFB];
	_ =	sdelay $0x3  }
0x92: {  	_ =	strace s18  }
0x93: {  	s3 =	sld [smem:$0x3FFC];
	_ =	sdelay $0x3  }
0x94: {  	_ =	strace s3  }
0x95: {  	s3 =	sld [smem:$0x3FFD];
	_ =	sdelay $0x3  }
0x96: {  	_ =	strace s3  }
0x97: {  	_ =	strace $0x8FFFFFFF  }
0x98: {  	s19 =	sld [smem:$0x3FDB];
	_ =	sdelay $0x1  }
0x99: {  	s4 =	simm.s32 $_scs_section_size  }
0x9a: {  	s5 =	simm.s32 $_size__tile_overlayer_lowered;
	s6 =	simm.s32 $_tile_overlayer_lowered  }
0x9b: {  	s22 =	simm.s32 $0x1BFF;
	s21 =	sshll.u32 s6, $0x1;
	s3 =	sadd.s32 s4, s19  }
0x9c: {  	s7 =	simm.s32 $0x0;
	s20 =	sshll.u32 s5, $0x1;
	s5 =	sadd.s32 s21, s3  }
0x9d: {  	[timem:s7], [sflag:s22] =	dma.local [hbm:s5], s20  }
0x9e: {  	_ =	swait.ge [sflag:s22], s20  }
0x9f: {  	s4 =	ssub.s32 $0x0, s20;
	[sflag:s22] =	ssyncset.done $0x0  }
0xa0: {  	[sflag:s22] =	ssyncadd.s32 s4;
	_ =	sdelay $0x1  }
0xa1: {  	s23 =	simm.s32 $0x1B8B  }
0xa2: {  	_ =	swait.ge [sflag:s23], $0x1  }
0xa3: {  	[sflag:s23] =	ssyncset.done $0x0  }
0xa4: {  	s25 =	simm.s32 $0x1B8E;
	s24 =	sld [smem:$0x3FFE];
	[sflag:s23] =	ssyncadd.s32 $0xFFFFFFFF  }
0xa5: {  	s26 =	simm.s32 $execute0_lowered;
	[smem:$0x3FD2] =	sst s25  }
0xa6: {  	s5 =	sshll.u32 s26, $0x1;
	_ =	strace $0x80000046;
	[dreg:$0x1] =	wrdreg $0xFFFFFFFF  }
0xa7: {  	s28 =	simm.s32 $_size_execute0_lowered;
	s3 =	sadd.s32 s3, s5;
	[dreg:$0x0] =	wrdreg $0x0  }
0xa8: {  	s5 =	sshll.u32 s28, $0x1;
	[dreg:$0x2] =	wrdreg s3  }
0xa9: {  	[dreg:$0x3] =	wrdreg s5  }
0xaa: {  	[dreg:$0x4] =	wrdreg $0xC0  }
0xab: {  	_ =	task [dreg:s7], $0x5FFFF  }
0xac: {  	[dreg:$0x1] =	wrdreg $0xFFFFFFFF  }
0xad: {  	[dreg:$0x0] =	wrdreg $0x60  }
0xae: {  	[dreg:$0x2] =	wrdreg s2  }
0xaf: {  	[dreg:$0x3] =	wrdreg s24  }
0xb0: {  	[dreg:$0x4] =	wrdreg $0x0  }
0xb1: {  	[dreg:$0x5] =	wrdreg $0x9  }
0xb2: {  	_ =	task.clear_ibuf [dreg:s7], $0x6FFFF;
	_ =	strace $0x90000046  }
0xb3: {  	s29 =	simm.s32 $0x9;
	_ =	strace $0x80000048  }
0xb4: {  	_ =	swait.ge [sflag:s29], $0x1  }
0xb5: {  	[sflag:s29] =	ssyncadd.s32 $0xFFFFFFFF  }
0xb6: {  	_ =	strace $0x90000048  }
0xb7: {  	_ =	sfence  }
0xb8: {  	s30 =	sld [smem:$0x0];
	_ =	sdelay $0x2  }
0xb9: {  	s31 =	sshll.u32 s1, $0xD;
	s1 =	sshrl.u32 s1, $0x2  }
0xba: {  	s3 =	sand.u32 $0x4000, s31;
	s1 =	sadd.s32 s1, s30  }
0xbb: {  	s0 =	sor.u32 s3, s0;
	s1 =	sshll.u32 s1, $0x11  }
0xbc: {  	s0 =	sor.u32 s1, s0  }
0xbd: {  	s0 =	sadd.s32 $0x8F2B, s0  }
0xbe: {  	[sflag:s0] =	ssyncadd.remote.s32 $0x1  }
0xbf: {  	_ =	sfence.sel $0xFFFF  }
0xc0: {  	[dreg:$0x0] =	wrdreg $0xFFFFFFFF;
	(pc) =	sbr.abs _section_cstart, $3  }
0xc1: {  	[dreg:$0x1] =	wrdreg $0xFFFFFFFF  }
0xc2: {  	_ =	task.clear_ibuf [dreg:s7], $0x2FFFF;
	_ =	strace $0x9FFFFFFF  }
0xc3: {  	(tm) =	ssettm $0x7FFFFFFF  }
tec
execute0_lowered:
.L_overlay_start_1:
0x0: {  	(tag) =	ssettag $0x1  }
0x1: {  	s5 =	rddreg [dreg:$0x0]  }
0x2: {  	s4 =	rddreg [dreg:$0x1]  }
0x3: {  	s1 =	rddreg [dreg:$0x2]  }
0x4: {  	s2 =	srdreg.scid;
	s0 =	rddreg [dreg:$0x3];
	s3 =	simm.s32 $0x0  }
0x5: {  	s11 =	simm.s32 $0x80;
	s6 =	sand.u32 $0x1, s2;
	s2 =	stileid.u32  }
0x6: {  	s12 =	simm.s32 $0x5000;
	[smem:$0x7FF] =	sst s3;
	s7 =	smul.u32 $0x140000, s6  }
0x7: {  	s13 =	simm.s32 $0x2;
	s8 =	smul.u32 $0x14000, s2;
	_ =	strace $0x80000047  }
0x8: {  	s31 =	smul.u32 $0x50000, s2;
	s9 =	sshll.u32 s6, $0x4;
	s6 =	ssub.s32 $0x2, s6  }
0x9: {  	s14 =	sshll.u32 s2, $0x6;
	s9 =	sor.u32 s2, s9;
	s10 =	sshrl.u32 s6, $0x1  }
0xa: {  	s14 =	sor.u32 $0x1C01, s14;
	s7 =	sadd.s32 s8, s7;
	s9 =	smul.u32 $0x500, s9  }
0xb: {  	s8 =	sshrl.u32 s31, $0x2;
	s10 =	ssub.s32 s6, s10;
	s7 =	sshrl.u32 s7, $0x3  }
0xc: {  	s7 =	sadd.s32 s7, s4;
	s4 =	sadd.s32 s8, s1;
	s5 =	sadd.s32 s5, s9  }
0xd: {  	s8 =	simm.s32 $0x9000;
	s9 =	simm.s32 $0x1;
	s6 =	sadd.s32 $0x400, s7  }
0xe: {  	v0 =	vimm.f32 $0.0e+00;
	v1 =	vimm.f32 $1.000000000e+00;
	s7 =	smax.u32 s10, $0x1;
	s10 =	simm.s32 $0x2800;
	s15 =	sshrl.u32 s4, $0x3  }
.LBB2_1:
0xf: {  	s16 =	simm.s32 $0x0  }
.LBB2_2:
0x10: {  	p0 =	sne.s32 s16, $0x4FE00  }
.Ltmp0:
0x11: {  	_ = 	snop;
	(pc) =	sbr.rel @p0 .LBB2_2-.Ltmp0, $3  }
0x12: {  	_ =	sdelay $0x1  }
0x13: {  	s17 =	sshra.s32 s16, $0x2  }
0x14: {  	s16 =	sadd.s32 $0x200, s16;
	[tilespmem:s17+$0x9000] =	vst v0  }
0x15: {  	s16 =	simm.s32 $0x200;
	s17 =	simm.s32 $0x0  }
.LBB2_4:
0x16: {  	p0 =	sne.s32 s16, $0xFE00;
	[tilespmem:s17+$0x5000] =	vst v1;
	s17 =	smov.u32 s16;
	s16 =	sadd.s32 $0x200, s16  }
.Ltmp1:
0x17: {  	(pc) =	sbr.rel @p0 .LBB2_4-.Ltmp1, $2  }
0x18: {  	_ =	sdelay $0x2  }
0x19: {  	s17 =	sshra.s32 s17, $0x2  }
0x1a: {  	[tilespmem:s17+$0x5000] =	vst v1  }
0x1b: {  	[spmem:s4] =	stream.linear.scatter [tilespmem:s8], [sflag:$0x1], $0x14000, $0x38;
	[tilespmem:$0x1D000] =	vst v63  }
0x1c: {  	_ =	swait.ge [sflag:s9], $0x14000  }
0x1d: {  	[sflag:s9] =	ssyncset.done $0x0  }
0x1e: {  	s16 =	simm.s32 $0x0;
	[sflag:s9] =	ssyncadd.s32 $0xFFFEC000  }
0x1f: {  	[tilespmem:s10], [sflag:$0x1] =	stream.linear.gather [hbm4b:s5+s16], $0x2800, $0x38;
	[tilespmem:$0x1D000] =	vst v63  }
0x20: {  	_ =	swait.ge [sflag:s9], $0x2800  }
0x21: {  	[sflag:s9] =	ssyncset.done $0x0  }
0x22: {  	[sflag:s9] =	ssyncadd.s32 $0xFFFFD800  }
0x23: {  	s31 =	simm.s32 $0x2800;
	[bflag:$0x0] =	sbarrier.arrive $0xFFFF  }
0x24: {  	[spmem:s1] =	stream.indirect.scatter.add.f32 [tilespmem:s12], [sflag:$0x2], $0x10, s31, s11, $0xb8;
	[tilespmem:$0x1D000] =	vst v63  }
0x25: {  	s16 =	simm.s32 $0x200;
	_ =	swait.ge [sflag:s13], $0x800  }
.LBB2_6:
0x26: {  	s17 =	sshra.s32 s16, $0x2;
	[sflag:s13] =	ssyncset.done $0x0;
	p0 =	sne.s32 s16, $0x9E00  }
.Ltmp2:
0x27: {  	s17 =	sadd.s32 $0x2800, s17;
	[sflag:s13] =	ssyncadd.s32 $0xFFFFF800;
	(pc) =	sbr.rel @p0 .LBB2_6-.Ltmp2, $3  }
0x28: {  	[spmem:s1] =	stream.indirect.scatter.add.f32 [tilespmem:s12], [sflag:$0x2], $0x10, s17, s11, $0xb8;
	[tilespmem:$0x1D000] =	vst v63  }
0x29: {  	s16 =	sadd.s32 $0x200, s16;
	_ =	sdelay $0x1  }
0x2a: {  	_ =	swait.ge [sflag:s13], $0x800  }
0x2b: {  	[sflag:s13] =	ssyncset.done $0x0;
	s3 =	sadd.s32 $0x1, s3  }
0x2c: {  	[sflag:s13] =	ssyncadd.s32 $0xFFFFF800;
	p0 =	sne.s32 s3, s7  }
.Ltmp3:
0x2d: {  	[bflag:$0x0] =	sbarrier.arrive $0xFFFF;
	(pc) =	sbr.rel @p0 .LBB2_1-.Ltmp3, $4  }
0x2e: {  	[hbm:s6], [sflag:s14] =	dma.local [spmem:s15], $0x2800  }
0x2f: {  	_ =	swait.ge [sflag:s9], $0x2800  }
0x30: {  	[sflag:s9] =	ssyncset.done $0x0  }
0x31: {  	[sflag:s9] =	ssyncadd.s32 $0xFFFFD800  }
0x32: {  	_ =	sfence.sel $0x180000  }
0x33: {  	[bflag:$0x0] =	sbarrier.arrive $0xFFFF  }
0x34: {  	p0 =	sne.s32 s2, $0x0;
	_ =	strace $0x90000047  }
0x35: {  	s0 =	sadd.s32 @!p0 $0x100000, s0;
	[bflag:$0x2] =	sbarrier.arrive $0xFFFF  }
0x36: {  	[sflag:s0] =	ssyncadd.tile.s32 @!p0 $0x1;
	_ =	shalt  }
.Lfunc_end2:
_tile_overlayer_lowered:
.L_overlay_start_2:
0x37: {  	(tag) =	ssettag $0x2  }
0x38: {  	s0 =	rddreg [dreg:$0x0];
	s2 =	stileid.u32  }
0x39: {  	s1 =	rddreg [dreg:$0x1];
	p0 =	sne.s32 s2, $0x0  }
0x3a: {  	s3 =	rddreg [dreg:$0x2];
	[bflag:$0x3] =	sbarrier.arrive $0xFFFF;
	s2 =	simm.s32 @!p0 $0x1C02  }
0x3b: {  	[timem:s3], [sflag:s2] =	dma.local @!p0 [hbm:s0], s1  }
0x3c: {  	s0 =	simm.s32 @!p0 $0x2  }
0x3d: {  	_ =	swait.ge @!p0 [sflag:s0], s1  }
0x3e: {  	s1 =	ssub.s32 @!p0 $0x0, s1;
	[sflag:s0] =	ssyncset.done @!p0 $0x0  }
0x3f: {  	[sflag:s0] =	ssyncadd.s32 @!p0 s1  }
0x40: {  	[bflag:$0x3] =	sbarrier.arrive $0xFFFF  }
0x41: {  	_ =	shalt  }

</sc_bundles>
